<compile_context>
chip_gen: v7x
topology: tpu7x:2x2x1
jax: 0.10.2.dev20260603
libtpu: 0.0.44.dev20260713+nightly
codegen_flags: <defaults>
</compile_context>

<pallas_src>
import functools
import math

import numpy as np
import jax
import jax.numpy as jnp
from jax import lax
from jax.experimental import pallas as pl
from jax.experimental.pallas import tpu as pltpu
from jax.experimental.pallas import tpu_sc as plsc

_GRID_SIZE = 5
_SPLINE_ORDER = 3
_COEFF = _GRID_SIZE + _SPLINE_ORDER
_NKNOT = _GRID_SIZE + 2 * _SPLINE_ORDER + 1

_KNOTS = (np.arange(-_SPLINE_ORDER, _GRID_SIZE + _SPLINE_ORDER + 1,
                    dtype=np.float32) * np.float32(2.0 / _GRID_SIZE)
          - np.float32(1.0))

_NC, _NS = 2, 16
_NW = _NC * _NS
_K = 128


def _spline_bases(x):
  t = _KNOTS
  bases = [((x >= t[j]) & (x < t[j + 1])).astype(x.dtype)
           for j in range(_NKNOT - 1)]
  for k in range(1, _SPLINE_ORDER + 1):
    nxt = []
    for j in range(_NKNOT - 1 - k):
      dl = np.float32(t[j + k] - t[j])
      dr = np.float32(t[j + k + 1] - t[j + 1])
      left = (x - t[j]) / dl
      right = (t[j + k + 1] - x) / dr
      nxt.append(left * bases[j] + right * bases[j + 1])
    bases = nxt
  return bases


def _features(h):
  return jnp.concatenate([h * jax.nn.sigmoid(h)] + _spline_bases(h), axis=1)


def _prep_weight(base_w, spline_w, d_pad=None):
  h_dim, d = base_w.shape
  d_pad = d if d_pad is None else d_pad
  groups = [base_w.T] + [spline_w[:, :, j].T for j in range(_COEFF)]
  groups = [jnp.pad(g, ((0, d_pad - d), (0, 0))) for g in groups]
  return jnp.concatenate(groups, axis=0)



@functools.partial(jax.jit, static_argnums=(4, 5, 6))
def _sc_agg(x_pad, src_p, dst_p, zeros_sh, n_chunks, d, tiled=True):
  n_pad = x_pad.shape[0]
  sh_rows = zeros_sh.shape[0]
  rows_per_sub = sh_rows // _NS
  out_rows = n_pad // _NS
  mesh = plsc.VectorSubcoreMesh(core_axis_name="c", subcore_axis_name="s",
                                num_cores=_NC, num_subcores=_NS)

  @functools.partial(
      pl.kernel,
      out_type=jax.ShapeDtypeStruct((_NC, n_pad, d), jnp.float32),
      mesh=mesh,
      scratch_types=[
          pltpu.VMEM((n_chunks, _K), jnp.int32),
          pltpu.VMEM((n_chunks, _K), jnp.int32),
          pltpu.VMEM((_K, d), jnp.float32),
          pltpu.VMEM_SHARED((sh_rows, d), jnp.float32),
          pltpu.SemaphoreType.DMA,
      ],
      compiler_params=pltpu.CompilerParams(use_tc_tiling_on_sc=tiled),
  )
  def agg(x_hbm, src_hbm, dst_hbm, zero_hbm, out_hbm,
          src_v, dst_v, rows_v, acc_sh, sem):
    c = lax.axis_index("c")
    s = lax.axis_index("s")
    wid = c * _NS + s
    pltpu.sync_copy(zero_hbm.at[pl.ds(s * rows_per_sub, rows_per_sub)],
                    acc_sh.at[pl.ds(s * rows_per_sub, rows_per_sub)])
    pltpu.sync_copy(src_hbm.at[wid], src_v)
    pltpu.sync_copy(dst_hbm.at[wid], dst_v)
    plsc.subcore_barrier()

    def chunk(i, carry):
      pltpu.async_copy(x_hbm.at[src_v.at[i]], rows_v, sem).wait()
      pltpu.sync_copy(rows_v, acc_sh.at[dst_v.at[i]], add=True)
      return carry

    lax.fori_loop(0, n_chunks, chunk, 0)
    plsc.subcore_barrier()
    pltpu.sync_copy(acc_sh.at[pl.ds(s * out_rows, out_rows)],
                    out_hbm.at[c, pl.ds(s * out_rows, out_rows)])

  return agg(x_pad, src_p, dst_p, zeros_sh)



def _kan_layer(x_pad, aggs, w, blk, out_cols=None):
  n_pad, d = x_pad.shape
  h_dim = w.shape[1]
  out_cols = h_dim if out_cols is None else out_cols

  def body(x_ref, a_ref, w_ref, o_ref):
    h = x_ref[...] + a_ref[0] + a_ref[1]
    acc = jnp.dot(_features(h), w_ref[...], preferred_element_type=jnp.float32)
    if out_cols > h_dim:
      acc = jnp.concatenate(
          [acc, jnp.zeros((blk, out_cols - h_dim), jnp.float32)], axis=1)
    o_ref[...] = acc

  return pl.pallas_call(
      body,
      grid=(n_pad // blk,),
      in_specs=[
          pl.BlockSpec((blk, d), lambda i: (i, 0)),
          pl.BlockSpec((2, blk, d), lambda i: (0, i, 0)),
          pl.BlockSpec((9 * d, h_dim), lambda i: (0, 0)),
      ],
      out_specs=pl.BlockSpec((blk, out_cols), lambda i: (i, 0)),
      out_shape=jax.ShapeDtypeStruct((n_pad, out_cols), jnp.float32),
  )(x_pad, aggs, w)


def _kan_layer_pool(x_pad, aggs, w, batch2d, n_graphs, blk):
  n_pad, d = x_pad.shape
  h_dim = w.shape[1]

  def body(x_ref, a_ref, w_ref, b_ref, pool_ref):
    h = x_ref[...] + a_ref[0] + a_ref[1]
    hid = jnp.dot(_features(h), w_ref[...], preferred_element_type=jnp.float32)
    seg = lax.broadcasted_iota(jnp.int32, (blk, n_graphs), 1)
    m = (b_ref[...] == seg).astype(jnp.float32)
    contrib = lax.dot_general(m, hid, (((0,), (0,)), ((), ())),
                              preferred_element_type=jnp.float32)
    i = pl.program_id(0)

    @pl.when(i == 0)
    def _():
      pool_ref[...] = contrib

    @pl.when(i > 0)
    def _():
      pool_ref[...] += contrib

  return pl.pallas_call(
      body,
      grid=(n_pad // blk,),
      in_specs=[
          pl.BlockSpec((blk, d), lambda i: (i, 0)),
          pl.BlockSpec((2, blk, d), lambda i: (0, i, 0)),
          pl.BlockSpec((9 * d, h_dim), lambda i: (0, 0)),
          pl.BlockSpec((blk, 1), lambda i: (i, 0)),
      ],
      out_specs=pl.BlockSpec((n_graphs, h_dim), lambda i: (0, 0)),
      out_shape=jax.ShapeDtypeStruct((n_graphs, h_dim), jnp.float32),
  )(x_pad, aggs, w, batch2d)


def _kan_final(pooled, w):
  g, h_dim = pooled.shape
  tp = w.shape[1]

  def body(x_ref, w_ref, o_ref):
    o_ref[...] = jnp.dot(_features(x_ref[...]), w_ref[...],
                         preferred_element_type=jnp.float32)

  return pl.pallas_call(
      body,
      out_shape=jax.ShapeDtypeStruct((g, tp), jnp.float32),
  )(pooled, w)



def kernel(x, edge_index, batch, conv0_base_w, conv0_spline_w,
           conv1_base_w, conv1_spline_w, kan_base_w, kan_spline_w):
  n, d = x.shape
  h_dim = conv0_base_w.shape[0]
  t_dim = kan_base_w.shape[0]
  n_graphs = 128
  e = edge_index.shape[1]

  blk = 256
  n_pad = math.ceil(n / blk) * blk
  sh_rows = n_pad + 128

  n_chunks = math.ceil(e / (_NW * _K))
  e_pad = _NW * _K * n_chunks
  src = jnp.concatenate(
      [edge_index[0], jnp.zeros((e_pad - e,), jnp.int32)]).reshape(
          _NW, n_chunks, _K)
  pad_dst = n_pad + (jnp.arange(e_pad - e, dtype=jnp.int32) % 128)
  dst = jnp.concatenate([edge_index[1], pad_dst]).reshape(_NW, n_chunks, _K)

  x_pad = jnp.pad(x, ((0, n_pad - n), (0, 0)))
  batch2d = jnp.pad(batch, (0, n_pad - n),
                    constant_values=n_graphs).reshape(n_pad, 1)

  w0 = _prep_weight(conv0_base_w, conv0_spline_w)
  w1 = _prep_weight(conv1_base_w, conv1_spline_w)
  tp = 128
  w2 = jnp.pad(_prep_weight(kan_base_w, kan_spline_w),
               ((0, 0), (0, tp - t_dim)))

  zeros_d = jnp.zeros((sh_rows, d), jnp.float32)
  zeros_h = jnp.zeros((sh_rows, h_dim), jnp.float32)

  agg0 = _sc_agg(x_pad, src, dst, zeros_d, n_chunks, d)
  h1 = _kan_layer(x_pad, agg0, w0, blk)
  agg1 = _sc_agg(h1, src, dst, zeros_h, n_chunks, h_dim, False)
  pooled = _kan_layer_pool(h1, agg1, w1, batch2d, n_graphs, blk)
  out = _kan_final(pooled, w2)
  return out[:, :t_dim]

# --- scband reference (transcript-rebuilt; emitter-appended) ---
"""Pipeline reference for scband-gkan-47459388621632 (READ-ONLY COPY).

The authoritative reference and input builder live on the scoring server;
editing this copy changes nothing except your own understanding.
"""

import jax, jax.numpy as jnp
import numpy as np

GRID_SIZE = 5
SPLINE_ORDER = 3

def make_grid(in_features, grid_size=GRID_SIZE, spline_order=SPLINE_ORDER):
    h = 2.0 / grid_size
    g = jnp.arange(-spline_order, grid_size + spline_order + 1, dtype=jnp.float32) * h - 1.0
    return jnp.tile(g[None, :], (in_features, 1))

def b_splines(x, grid, spline_order=SPLINE_ORDER):
    xe = x[:, :, None]
    bases = ((xe >= grid[:, :-1]) & (xe < grid[:, 1:])).astype(x.dtype)
    for k in range(1, spline_order + 1):
        left = (xe - grid[:, :-(k + 1)]) / (grid[:, k:-1] - grid[:, :-(k + 1)])
        right = (grid[:, k + 1:] - xe) / (grid[:, k + 1:] - grid[:, 1:-k])
        bases = left * bases[:, :, :-1] + right * bases[:, :, 1:]
    return bases

def kan_linear(x, base_w, spline_w, grid):
    base = jax.nn.silu(x) @ base_w.T
    spl = b_splines(x, grid).reshape(x.shape[0], -1) @ spline_w.reshape(spline_w.shape[0], -1).T
    return base + spl

def gin_conv(x, edge_index, base_w, spline_w, grid):
    src = edge_index[0]
    dst = edge_index[1]
    agg = jax.ops.segment_sum(x[src], dst, num_segments=x.shape[0])
    # GINConv default eps=0: nn((1+eps)*x + sum_neighbors)
    return kan_linear(x + agg, base_w, spline_w, grid)

def setup_inputs(seed: int = 0):
    key = jax.random.key(seed)
    ks = jax.random.split(key, 9)
    N, E, D, H, T, G = 10000, 320000, 128, 64, 10, 128
    coeff = GRID_SIZE + SPLINE_ORDER
    x = jax.random.normal(ks[0], (N, D), dtype=jnp.float32)
    edge_index = jax.random.randint(ks[1], (2, E), 0, N, dtype=jnp.int32)
    batch = jnp.sort(jax.random.randint(ks[2], (N,), 0, G, dtype=jnp.int32))
    conv0_base_w = jax.random.normal(ks[3], (H, D), dtype=jnp.float32) * (1.0 / np.sqrt(D))
    conv0_spline_w = jax.random.normal(ks[4], (H, D, coeff), dtype=jnp.float32) * 0.1
    conv1_base_w = jax.random.normal(ks[5], (H, H), dtype=jnp.float32) * (1.0 / np.sqrt(H))
    conv1_spline_w = jax.random.normal(ks[6], (H, H, coeff), dtype=jnp.float32) * 0.1
    kan_base_w = jax.random.normal(ks[7], (T, H), dtype=jnp.float32) * (1.0 / np.sqrt(H))
    kan_spline_w = jax.random.normal(ks[8], (T, H, coeff), dtype=jnp.float32) * 0.1
    return {"x": x, "edge_index": edge_index, "batch": batch,
            "conv0_base_w": conv0_base_w, "conv0_spline_w": conv0_spline_w,
            "conv1_base_w": conv1_base_w, "conv1_spline_w": conv1_spline_w,
            "kan_base_w": kan_base_w, "kan_spline_w": kan_spline_w}

def reference(x, edge_index, batch, conv0_base_w, conv0_spline_w, conv1_base_w, conv1_spline_w, kan_base_w, kan_spline_w):
    grid_in = make_grid(x.shape[1])
    grid_h = make_grid(conv1_base_w.shape[1])
    h = gin_conv(x, edge_index, conv0_base_w, conv0_spline_w, grid_in)
    # dropout is identity in eval mode
    h = gin_conv(h, edge_index, conv1_base_w, conv1_spline_w, grid_h)
    pooled = jax.ops.segment_sum(h, batch, num_segments=128)
    out = kan_linear(pooled, kan_base_w, kan_spline_w, grid_h)
    return out

if __name__ == "__main__":
    import jax
    _d = setup_inputs()
    print(jax.jit(kernel)(*tuple(_d.values())))

</pallas_src>

<mosaic_0001>
#map = affine_map<(d0, d1) -> (0, 0)>
#map1 = affine_map<(d0, d1) -> (0, 0, 0)>
module attributes {stable_mosaic.version = 14 : i64} {
  func.func @agg(%arg0: i32, %arg1: i32, %arg2: memref<10240x128xf32, #tpu.memory_space<hbm>>, %arg3: memref<32x79x128xi32, #tpu.memory_space<hbm>>, %arg4: memref<32x79x128xi32, #tpu.memory_space<hbm>>, %arg5: memref<10368x128xf32, #tpu.memory_space<hbm>>, %arg6: memref<2x10240x128xf32, #tpu.memory_space<hbm>>, %arg7: memref<79x128xi32, #tpu.memory_space<vmem>>, %arg8: memref<79x128xi32, #tpu.memory_space<vmem>>, %arg9: memref<128x128xf32, #tpu.memory_space<vmem>>, %arg10: memref<10368x128xf32, #tpu.memory_space<vmem_shared>>, %arg11: memref<!tpu.dma_semaphore, #tpu.memory_space<semaphore_mem>>) attributes {dimension_semantics = [#tpu.dimension_semantics<core_parallel>, #tpu.dimension_semantics<subcore_parallel>], iteration_bounds = array<i64: 2, 16>, scalar_prefetch = 0 : i64, scratch_operands = 5 : i64, tpu.core_type = #tpu.core_type<sc_vector_subcore>, window_params = [{transform_indices = #map}, {transform_indices = #map1}, {transform_indices = #map1}, {transform_indices = #map}, {transform_indices = #map1}]} {
    %mul3A = arith.constant 16 : i32
    %mul3A_0 = arith.muli %arg0, %mul3A : i32
    %add3A = arith.addi %mul3A_0, %arg1 : i32
    %mul3A_1 = arith.constant 648 : i32
    %mul3A_2 = arith.muli %arg1, %mul3A_1 : i32
    %mul3A_3 = arith.constant 648 : i32
    %mul3A_4 = arith.muli %arg1, %mul3A_3 : i32
    "tpu.region"() ({
      %run_scoped3A = tpu.sem_alloc : memref<!tpu.dma_semaphore, #tpu.memory_space<semaphore_mem>>
      %dma_start3A = arith.constant 0 : i32
      %dma_start3A_15 = tpu.memref_slice %arg10[%mul3A_4, %dma_start3A] : memref<10368x128xf32, #tpu.memory_space<vmem_shared>> -> memref<648x128xf32, #tpu.memory_space<vmem_shared>>
      %dma_start3A_16 = arith.constant 0 : i32
      %dma_start3A_17 = tpu.memref_slice %arg5[%mul3A_2, %dma_start3A_16] : memref<10368x128xf32, #tpu.memory_space<hbm>> -> memref<648x128xf32, #tpu.memory_space<hbm>>
      tpu.enqueue_dma source(%dma_start3A_17 : memref<648x128xf32, #tpu.memory_space<hbm>>) target(%dma_start3A_15 : memref<648x128xf32, #tpu.memory_space<vmem_shared>>) target_semaphore(%run_scoped3A : memref<!tpu.dma_semaphore, #tpu.memory_space<semaphore_mem>>)
      %dma_wait3A = arith.constant 0 : i32
      %dma_wait3A_18 = tpu.memref_slice %arg10[%mul3A_4, %dma_wait3A] : memref<10368x128xf32, #tpu.memory_space<vmem_shared>> -> memref<648x128xf32, #tpu.memory_space<vmem_shared>>
      %dma_wait3A_19 = arith.constant 0 : i32
      %dma_wait3A_20 = tpu.memref_slice %arg5[%mul3A_2, %dma_wait3A_19] : memref<10368x128xf32, #tpu.memory_space<hbm>> -> memref<648x128xf32, #tpu.memory_space<hbm>>
      tpu.wait_dma2 semaphore(%run_scoped3A : memref<!tpu.dma_semaphore, #tpu.memory_space<semaphore_mem>>) src(%dma_wait3A_20 : memref<648x128xf32, #tpu.memory_space<hbm>>) dst(%dma_wait3A_18 : memref<648x128xf32, #tpu.memory_space<vmem_shared>>)
      tpu.yield
    }) : () -> ()
    "tpu.region"() ({
      %run_scoped3A = tpu.sem_alloc : memref<!tpu.dma_semaphore, #tpu.memory_space<semaphore_mem>>
      %dma_start3A = arith.constant 0 : i32
      %dma_start3A_15 = arith.constant 0 : i32
      %dma_start3A_16 = tpu.memref_slice %arg3[%add3A, %dma_start3A, %dma_start3A_15] : memref<32x79x128xi32, #tpu.memory_space<hbm>> -> memref<1x79x128xi32, #tpu.memory_space<hbm>>
      %dma_start3A_17 = tpu.memref_squeeze %dma_start3A_16 : memref<1x79x128xi32, #tpu.memory_space<hbm>> -> memref<79x128xi32, #tpu.memory_space<hbm>>
      %dma_start3A_18 = arith.constant 0 : i32
      %dma_start3A_19 = arith.constant 0 : i32
      %dma_start3A_20 = tpu.memref_slice %arg3[%add3A, %dma_start3A_18, %dma_start3A_19] : memref<32x79x128xi32, #tpu.memory_space<hbm>> -> memref<1x79x128xi32, #tpu.memory_space<hbm>>
      %dma_start3A_21 = tpu.memref_squeeze %dma_start3A_20 : memref<1x79x128xi32, #tpu.memory_space<hbm>> -> memref<79x128xi32, #tpu.memory_space<hbm>>
      tpu.enqueue_dma source(%dma_start3A_21 : memref<79x128xi32, #tpu.memory_space<hbm>>) target(%arg7 : memref<79x128xi32, #tpu.memory_space<vmem>>) target_semaphore(%run_scoped3A : memref<!tpu.dma_semaphore, #tpu.memory_space<semaphore_mem>>)
      %dma_wait3A = arith.constant 0 : i32
      %dma_wait3A_22 = arith.constant 0 : i32
      %dma_wait3A_23 = tpu.memref_slice %arg3[%add3A, %dma_wait3A, %dma_wait3A_22] : memref<32x79x128xi32, #tpu.memory_space<hbm>> -> memref<1x79x128xi32, #tpu.memory_space<hbm>>
      %dma_wait3A_24 = tpu.memref_squeeze %dma_wait3A_23 : memref<1x79x128xi32, #tpu.memory_space<hbm>> -> memref<79x128xi32, #tpu.memory_space<hbm>>
      %dma_wait3A_25 = arith.constant 0 : i32
      %dma_wait3A_26 = arith.constant 0 : i32
      %dma_wait3A_27 = tpu.memref_slice %arg3[%add3A, %dma_wait3A_25, %dma_wait3A_26] : memref<32x79x128xi32, #tpu.memory_space<hbm>> -> memref<1x79x128xi32, #tpu.memory_space<hbm>>
      %dma_wait3A_28 = tpu.memref_squeeze %dma_wait3A_27 : memref<1x79x128xi32, #tpu.memory_space<hbm>> -> memref<79x128xi32, #tpu.memory_space<hbm>>
      tpu.wait_dma2 semaphore(%run_scoped3A : memref<!tpu.dma_semaphore, #tpu.memory_space<semaphore_mem>>) src(%dma_wait3A_28 : memref<79x128xi32, #tpu.memory_space<hbm>>) dst(%arg7 : memref<79x128xi32, #tpu.memory_space<vmem>>)
      tpu.yield
    }) : () -> ()
    "tpu.region"() ({
      %run_scoped3A = tpu.sem_alloc : memref<!tpu.dma_semaphore, #tpu.memory_space<semaphore_mem>>
      %dma_start3A = arith.constant 0 : i32
      %dma_start3A_15 = arith.constant 0 : i32
      %dma_start3A_16 = tpu.memref_slice %arg4[%add3A, %dma_start3A, %dma_start3A_15] : memref<32x79x128xi32, #tpu.memory_space<hbm>> -> memref<1x79x128xi32, #tpu.memory_space<hbm>>
      %dma_start3A_17 = tpu.memref_squeeze %dma_start3A_16 : memref<1x79x128xi32, #tpu.memory_space<hbm>> -> memref<79x128xi32, #tpu.memory_space<hbm>>
      %dma_start3A_18 = arith.constant 0 : i32
      %dma_start3A_19 = arith.constant 0 : i32
      %dma_start3A_20 = tpu.memref_slice %arg4[%add3A, %dma_start3A_18, %dma_start3A_19] : memref<32x79x128xi32, #tpu.memory_space<hbm>> -> memref<1x79x128xi32, #tpu.memory_space<hbm>>
      %dma_start3A_21 = tpu.memref_squeeze %dma_start3A_20 : memref<1x79x128xi32, #tpu.memory_space<hbm>> -> memref<79x128xi32, #tpu.memory_space<hbm>>
      tpu.enqueue_dma source(%dma_start3A_21 : memref<79x128xi32, #tpu.memory_space<hbm>>) target(%arg8 : memref<79x128xi32, #tpu.memory_space<vmem>>) target_semaphore(%run_scoped3A : memref<!tpu.dma_semaphore, #tpu.memory_space<semaphore_mem>>)
      %dma_wait3A = arith.constant 0 : i32
      %dma_wait3A_22 = arith.constant 0 : i32
      %dma_wait3A_23 = tpu.memref_slice %arg4[%add3A, %dma_wait3A, %dma_wait3A_22] : memref<32x79x128xi32, #tpu.memory_space<hbm>> -> memref<1x79x128xi32, #tpu.memory_space<hbm>>
      %dma_wait3A_24 = tpu.memref_squeeze %dma_wait3A_23 : memref<1x79x128xi32, #tpu.memory_space<hbm>> -> memref<79x128xi32, #tpu.memory_space<hbm>>
      %dma_wait3A_25 = arith.constant 0 : i32
      %dma_wait3A_26 = arith.constant 0 : i32
      %dma_wait3A_27 = tpu.memref_slice %arg4[%add3A, %dma_wait3A_25, %dma_wait3A_26] : memref<32x79x128xi32, #tpu.memory_space<hbm>> -> memref<1x79x128xi32, #tpu.memory_space<hbm>>
      %dma_wait3A_28 = tpu.memref_squeeze %dma_wait3A_27 : memref<1x79x128xi32, #tpu.memory_space<hbm>> -> memref<79x128xi32, #tpu.memory_space<hbm>>
      tpu.wait_dma2 semaphore(%run_scoped3A : memref<!tpu.dma_semaphore, #tpu.memory_space<semaphore_mem>>) src(%dma_wait3A_28 : memref<79x128xi32, #tpu.memory_space<hbm>>) dst(%arg8 : memref<79x128xi32, #tpu.memory_space<vmem>>)
      tpu.yield
    }) : () -> ()
    %barrier3A = arith.constant 0 : index
    tpu.barrier barrier_id(%barrier3A)
    %scan3A = arith.constant 0 : i32
    %scan3A_5 = arith.constant 0 : i32
    %scan3A_6 = arith.constant 79 : i32
    %scan3A_7 = arith.addi %scan3A_5, %scan3A_6 : i32
    %scan3A_8 = arith.constant 1 : i32
    scf.for %scan3A_15 = %scan3A_5 to %scan3A_7 step %scan3A_8  : i32 {
      %dma_start3A = arith.constant 0 : i32
      %dma_start3A_16 = tpu.memref_slice %arg7[%scan3A_15, %dma_start3A] : memref<79x128xi32, #tpu.memory_space<vmem>> -> memref<1x128xi32, #tpu.memory_space<vmem>>
      %dma_start3A_17 = tpu.memref_squeeze %dma_start3A_16 : memref<1x128xi32, #tpu.memory_space<vmem>> -> memref<128xi32, #tpu.memory_space<vmem>>
      %dma_start3A_18 = arith.constant 0 : i32
      %dma_start3A_19 = arith.constant 0 : i32
      %dma_start3A_20 = tpu.memref_slice %arg2[%dma_start3A_18, %dma_start3A_19] : memref<10240x128xf32, #tpu.memory_space<hbm>> -> memref<10240x128xf32, #tpu.memory_space<hbm>>
      tpu.enqueue_indirect_dma source(%dma_start3A_20 : memref<10240x128xf32, #tpu.memory_space<hbm>>) target(%arg9 : memref<128x128xf32, #tpu.memory_space<vmem>>) offsets(%dma_start3A_17 : memref<128xi32, #tpu.memory_space<vmem>>) semaphore(%arg11 : memref<!tpu.dma_semaphore, #tpu.memory_space<semaphore_mem>>)
      %dma_wait3A = arith.constant 0 : i32
      %dma_wait3A_21 = tpu.memref_slice %arg7[%scan3A_15, %dma_wait3A] : memref<79x128xi32, #tpu.memory_space<vmem>> -> memref<1x128xi32, #tpu.memory_space<vmem>>
      %dma_wait3A_22 = tpu.memref_squeeze %dma_wait3A_21 : memref<1x128xi32, #tpu.memory_space<vmem>> -> memref<128xi32, #tpu.memory_space<vmem>>
      %dma_wait3A_23 = arith.constant 0 : i32
      %dma_wait3A_24 = arith.constant 0 : i32
      %dma_wait3A_25 = tpu.memref_slice %arg2[%dma_wait3A_23, %dma_wait3A_24] : memref<10240x128xf32, #tpu.memory_space<hbm>> -> memref<10240x128xf32, #tpu.memory_space<hbm>>
      tpu.wait_indirect_dma semaphore(%arg11 : memref<!tpu.dma_semaphore, #tpu.memory_space<semaphore_mem>>) src(%dma_wait3A_25 : memref<10240x128xf32, #tpu.memory_space<hbm>>) dst(%arg9 : memref<128x128xf32, #tpu.memory_space<vmem>>)
      "tpu.region"() ({
        %run_scoped3A = tpu.sem_alloc : memref<!tpu.dma_semaphore, #tpu.memory_space<semaphore_mem>>
        %dma_start3A_26 = arith.constant 0 : i32
        %dma_start3A_27 = tpu.memref_slice %arg8[%scan3A_15, %dma_start3A_26] : memref<79x128xi32, #tpu.memory_space<vmem>> -> memref<1x128xi32, #tpu.memory_space<vmem>>
        %dma_start3A_28 = tpu.memref_squeeze %dma_start3A_27 : memref<1x128xi32, #tpu.memory_space<vmem>> -> memref<128xi32, #tpu.memory_space<vmem>>
        %dma_start3A_29 = arith.constant 0 : i32
        %dma_start3A_30 = arith.constant 0 : i32
        %dma_start3A_31 = tpu.memref_slice %arg10[%dma_start3A_29, %dma_start3A_30] : memref<10368x128xf32, #tpu.memory_space<vmem_shared>> -> memref<10368x128xf32, #tpu.memory_space<vmem_shared>>
        tpu.enqueue_indirect_dma source(%arg9 : memref<128x128xf32, #tpu.memory_space<vmem>>) target(%dma_start3A_31 : memref<10368x128xf32, #tpu.memory_space<vmem_shared>>) offsets(%dma_start3A_28 : memref<128xi32, #tpu.memory_space<vmem>>) semaphore(%run_scoped3A : memref<!tpu.dma_semaphore, #tpu.memory_space<semaphore_mem>>) {add = true}
        %dma_wait3A_32 = arith.constant 0 : i32
        %dma_wait3A_33 = tpu.memref_slice %arg8[%scan3A_15, %dma_wait3A_32] : memref<79x128xi32, #tpu.memory_space<vmem>> -> memref<1x128xi32, #tpu.memory_space<vmem>>
        %dma_wait3A_34 = tpu.memref_squeeze %dma_wait3A_33 : memref<1x128xi32, #tpu.memory_space<vmem>> -> memref<128xi32, #tpu.memory_space<vmem>>
        %dma_wait3A_35 = arith.constant 0 : i32
        %dma_wait3A_36 = arith.constant 0 : i32
        %dma_wait3A_37 = tpu.memref_slice %arg10[%dma_wait3A_35, %dma_wait3A_36] : memref<10368x128xf32, #tpu.memory_space<vmem_shared>> -> memref<10368x128xf32, #tpu.memory_space<vmem_shared>>
        tpu.wait_indirect_dma semaphore(%run_scoped3A : memref<!tpu.dma_semaphore, #tpu.memory_space<semaphore_mem>>) src(%arg9 : memref<128x128xf32, #tpu.memory_space<vmem>>) dst(%dma_wait3A_37 : memref<10368x128xf32, #tpu.memory_space<vmem_shared>>)
        tpu.yield
      }) : () -> ()
    }
    %scan3A_9 = arith.constant 79 : i32
    %barrier3A_10 = arith.constant 0 : index
    tpu.barrier barrier_id(%barrier3A_10)
    %mul3A_11 = arith.constant 640 : i32
    %mul3A_12 = arith.muli %arg1, %mul3A_11 : i32
    %mul3A_13 = arith.constant 640 : i32
    %mul3A_14 = arith.muli %arg1, %mul3A_13 : i32
    "tpu.region"() ({
      %run_scoped3A = tpu.sem_alloc : memref<!tpu.dma_semaphore, #tpu.memory_space<semaphore_mem>>
      %dma_start3A = arith.constant 0 : i32
      %dma_start3A_15 = tpu.memref_slice %arg6[%arg0, %mul3A_14, %dma_start3A] : memref<2x10240x128xf32, #tpu.memory_space<hbm>> -> memref<1x640x128xf32, #tpu.memory_space<hbm>>
      %dma_start3A_16 = tpu.memref_squeeze %dma_start3A_15 : memref<1x640x128xf32, #tpu.memory_space<hbm>> -> memref<640x128xf32, #tpu.memory_space<hbm>>
      %dma_start3A_17 = arith.constant 0 : i32
      %dma_start3A_18 = tpu.memref_slice %arg10[%mul3A_12, %dma_start3A_17] : memref<10368x128xf32, #tpu.memory_space<vmem_shared>> -> memref<640x128xf32, #tpu.memory_space<vmem_shared>>
      tpu.enqueue_dma source(%dma_start3A_18 : memref<640x128xf32, #tpu.memory_space<vmem_shared>>) target(%dma_start3A_16 : memref<640x128xf32, #tpu.memory_space<hbm>>) target_semaphore(%run_scoped3A : memref<!tpu.dma_semaphore, #tpu.memory_space<semaphore_mem>>)
      %dma_wait3A = arith.constant 0 : i32
      %dma_wait3A_19 = tpu.memref_slice %arg6[%arg0, %mul3A_14, %dma_wait3A] : memref<2x10240x128xf32, #tpu.memory_space<hbm>> -> memref<1x640x128xf32, #tpu.memory_space<hbm>>
      %dma_wait3A_20 = tpu.memref_squeeze %dma_wait3A_19 : memref<1x640x128xf32, #tpu.memory_space<hbm>> -> memref<640x128xf32, #tpu.memory_space<hbm>>
      %dma_wait3A_21 = arith.constant 0 : i32
      %dma_wait3A_22 = tpu.memref_slice %arg10[%mul3A_12, %dma_wait3A_21] : memref<10368x128xf32, #tpu.memory_space<vmem_shared>> -> memref<640x128xf32, #tpu.memory_space<vmem_shared>>
      tpu.wait_dma2 semaphore(%run_scoped3A : memref<!tpu.dma_semaphore, #tpu.memory_space<semaphore_mem>>) src(%dma_wait3A_22 : memref<640x128xf32, #tpu.memory_space<vmem_shared>>) dst(%dma_wait3A_20 : memref<640x128xf32, #tpu.memory_space<hbm>>)
      tpu.yield
    }) : () -> ()
    return
  }
}

</mosaic_0001>

<sc_bundles>
// kernel: _sc_agg.3.cloned.1.call-start
scs
__scs_entry_jumppad:
0x0: {  	(pc) =	sbr.rel $0x88, $3  }
0x1: {  	(tag) =	ssettag $0x0;
	lr =	simm.s32 $0x1  }
0x2: {  	[smem:$0x3F9D] =	sst lr;
	_ =	strace $0xD0000000  }
0x3: {  	_ = 	snop  }
0x4: {  	_ = 	snop  }
0x5: {  	_ = 	snop  }
0x6: {  	_ = 	snop  }
0x7: {  	_ = 	snop  }
__scs_overlays_trampoline_lowered:
0x8: {  	[smem:$0x3FAC] =	sst s0  }
0x9: {  	[smem:$0x3FAD] =	sst s1  }
0xa: {  	[smem:$0x3FAE] =	sst s2  }
0xb: {  	[smem:$0x3FAF] =	sst s3  }
0xc: {  	[smem:$0x3FB0] =	sst s4  }
0xd: {  	[smem:$0x3FB1] =	sst s5  }
0xe: {  	[smem:$0x3FB2] =	sst s6  }
0xf: {  	[smem:$0x3FB3] =	sst s7  }
0x10: {  	[smem:$0x3FB4] =	sst s8  }
0x11: {  	[smem:$0x3FB5] =	sst s9;
	s0 =	simm.s32 @!p0 $0x0  }
0x12: {  	s1 =	sld [smem:$0x3F9B];
	s0 =	simm.s32 @p0 $0x1  }
0x13: {  	[smem:$0x3FB6] =	sst s0;
	s0 =	simm.s32 @!p1 $0x0  }
0x14: {  	s2 =	sld [smem:$0x3F9A];
	s0 =	simm.s32 @p1 $0x1  }
0x15: {  	[smem:$0x3FB7] =	sst s0;
	s0 =	simm.s32 @!p2 $0x0  }
0x16: {  	s3 =	sld [smem:$0x3FDB];
	s0 =	simm.s32 @p2 $0x1  }
0x17: {  	s4 =	simm.s32 $0x1BF5;
	[smem:$0x3FB9] =	sst s0  }
0x18: {  	s0 =	sld [smem:$0x3F9C];
	_ =	swait.ge [sflag:s4], $0x0  }
0x19: {  	s7 =	sld [smem:$0x3F9D]  }
0x1a: {  	s8 =	sadd.s32 $0xFFFFE003, lr  }
0x1b: {  	s9 =	sadd.s32 $0xFFFFFEF7, lr;
	s5 =	simm.s32 $0xFFFFFFFF;
	p2 =	slt.u32 s8, $0xFFFFF086  }
0x1c: {  	p1 =	slt.u32 s9, $0xF7A;
	s5 =	simm.s32 @!p2 $0x0  }
0x1d: {  	s5 =	simm.s32 @p1 $0x1;
	p0 =	seq.s32 s7, s2  }
0x1e: {  	s7 =	smul.u32 @!p0 $0xF7A, s2;
	p2 =	seq.s32 @!p0 s5, $0x0  }
0x1f: {  	s9 =	smul.u32 $0xF7A, s1;
	s8 =	simm.s32 @!p0 $0x1BF5;
	p2 =	por !p2, p0  }
0x20: {  	[sflag:s8] =	ssyncset.s32 @!p0 $0xFFFFF086;
	s6 =	sadd.s32 @!p0 s3, s7;
	s7 =	simm.s32 @!p0 $0x108  }
0x21: {  	s3 =	sadd.s32 s3, s9;
	s6 =	sadd.s32 @!p0 $0x88, s6;
	s7 =	simm.s32 @p2 $0x1082  }
0x22: {  	[simem:s7], [sflag:s8] =	dma.local @!p0 [hbm:s6], $0xF7A  }
0x23: {  	s9 =	sor.u32 $0xD0000000, s2;
	s6 =	simm.s32 $0x108;
	_ =	swait.ge @!p0 [sflag:s8], $0x0  }
0x24: {  	s3 =	sadd.s32 $0x88, s3;
	s6 =	simm.s32 @!p1 $0x1082;
	[sflag:s4] =	ssyncset.s32 $0xFFFFF086  }
0x25: {  	[simem:s6], [sflag:s4] =	dma.local [hbm:s3], $0xF7A  }
0x26: {  	[smem:$0x3F9D] =	sst s1;
	(tag) =	ssettag s2;
	_ =	strace s9  }
0x27: {  	s1 =	sld [smem:$0x3FAD]  }
0x28: {  	s2 =	sld [smem:$0x3FAE]  }
0x29: {  	s4 =	sld [smem:$0x3FB0]  }
0x2a: {  	p0 =	seq.s32 s5, $0x0;
	s5 =	sld [smem:$0x3FB1]  }
0x2b: {  	s6 =	sld [smem:$0x3FB2]  }
0x2c: {  	s7 =	sld [smem:$0x3FB3]  }
0x2d: {  	s3 =	simm.s32 $0x108;
	s8 =	sld [smem:$0x3FB4]  }
0x2e: {  	s3 =	simm.s32 @!p0 $0x1082;
	s9 =	sld [smem:$0x3FB5]  }
0x2f: {  	lr =	sadd.s32 s0, s3;
	s0 =	sld [smem:$0x3FAC]  }
0x30: {  	s3 =	sld [smem:$0x3FAF]  }
0x31: {  	[smem:$0x3FB8] =	sst s10  }
0x32: {  	s10 =	sld [smem:$0x3FB6];
	_ =	sdelay $0x3  }
0x33: {  	p0 =	seq.s32 s10, $0x1;
	s10 =	sld [smem:$0x3FB8];
	_ =	sdelay $0x3  }
0x34: {  	[smem:$0x3FB8] =	sst s10  }
0x35: {  	s10 =	sld [smem:$0x3FB7];
	_ =	sdelay $0x3  }
0x36: {  	p1 =	seq.s32 s10, $0x1;
	s10 =	sld [smem:$0x3FB8];
	_ =	sdelay $0x3  }
0x37: {  	[smem:$0x3FB8] =	sst s10  }
0x38: {  	s10 =	sld [smem:$0x3FB9]  }
0x39: {  	_ = 	snop;
	(pc) =	sbr.ind lr, $3  }
0x3a: {  	_ = 	snop  }
0x3b: {  	_ = 	snop  }
0x3c: {  	p2 =	seq.s32 s10, $0x1;
	s10 =	sld [smem:$0x3FB8]  }
0x3d: {  	_ =	shalt  }
0x3e: {  	_ =	shalt  }
0x3f: {  	_ =	shalt  }
0x40: {  	_ =	shalt  }
0x41: {  	_ =	shalt  }
0x42: {  	_ =	shalt  }
0x43: {  	_ =	shalt  }
0x44: {  	_ =	shalt  }
0x45: {  	_ =	shalt  }
0x46: {  	_ =	shalt  }
0x47: {  	_ =	shalt  }
0x48: {  	_ =	shalt  }
0x49: {  	_ =	shalt  }
0x4a: {  	_ =	shalt  }
0x4b: {  	_ =	shalt  }
0x4c: {  	_ =	shalt  }
0x4d: {  	_ =	shalt  }
0x4e: {  	_ =	shalt  }
0x4f: {  	_ =	shalt  }
0x50: {  	_ =	shalt  }
0x51: {  	_ =	shalt  }
0x52: {  	_ =	shalt  }
0x53: {  	_ =	shalt  }
0x54: {  	_ =	shalt  }
0x55: {  	_ =	shalt  }
0x56: {  	_ =	shalt  }
0x57: {  	_ =	shalt  }
0x58: {  	_ =	shalt  }
0x59: {  	_ =	shalt  }
0x5a: {  	_ =	shalt  }
0x5b: {  	_ =	shalt  }
0x5c: {  	_ =	shalt  }
0x5d: {  	_ =	shalt  }
0x5e: {  	_ =	shalt  }
0x5f: {  	_ =	shalt  }
0x60: {  	_ =	shalt  }
0x61: {  	_ =	shalt  }
0x62: {  	_ =	shalt  }
0x63: {  	_ =	shalt  }
0x64: {  	_ =	shalt  }
0x65: {  	_ =	shalt  }
0x66: {  	_ =	shalt  }
0x67: {  	_ =	shalt  }
0x68: {  	_ =	shalt  }
0x69: {  	_ =	shalt  }
0x6a: {  	_ =	shalt  }
0x6b: {  	_ =	shalt  }
0x6c: {  	_ =	shalt  }
0x6d: {  	_ =	shalt  }
0x6e: {  	_ =	shalt  }
0x6f: {  	_ =	shalt  }
0x70: {  	_ =	shalt  }
0x71: {  	_ =	shalt  }
0x72: {  	_ =	shalt  }
0x73: {  	_ =	shalt  }
0x74: {  	_ =	shalt  }
0x75: {  	_ =	shalt  }
0x76: {  	_ =	shalt  }
0x77: {  	_ =	shalt  }
0x78: {  	_ =	shalt  }
0x79: {  	_ =	shalt  }
0x7a: {  	_ =	shalt  }
0x7b: {  	_ =	shalt  }
0x7c: {  	_ =	shalt  }
0x7d: {  	_ =	shalt  }
0x7e: {  	_ =	shalt  }
0x7f: {  	_ =	shalt  }
0x80: {  	_ =	shalt  }
0x81: {  	_ =	shalt  }
0x82: {  	_ =	shalt  }
0x83: {  	_ =	shalt  }
0x84: {  	_ =	shalt  }
0x85: {  	_ =	shalt  }
0x86: {  	_ =	shalt  }
0x87: {  	_ =	shalt  }
.Lfunc_end0:
.L_simem_size_0:
called_computation_lowered:
.L_overlay_start_0:
0x88: {  	s2 =	sld [smem:$0x3FD9]  }
0x89: {  	s3 =	sld [smem:$0x3FFE];
	_ =	sdelay $0x1  }
0x8a: {  	s1 =	srdreg.scid  }
0x8b: {  	s0 =	sand.u32 $0x1, s1  }
0x8c: {  	s17 =	sshll.u32 s0, $0xA;
	s2 =	sadd.s32 s3, s2  }
0x8d: {  	s2 =	sadd.s32 s2, s17  }
0x8e: {  	[smem:$0x3FC4] =	sst s2  }
0x8f: {  	_ = 	snop  }
0x90: {  	s2 =	sld [smem:$0x3FC9]  }
0x91: {  	s18 =	sld [smem:$0x3FC6]  }
0x92: {  	s4 =	sld [smem:$0x3FD0];
	(tm) =	ssettm $0x1  }
0x93: {  	s5 =	sld [smem:$0x3FFB];
	_ =	sdelay $0x3  }
0x94: {  	_ =	strace s5  }
0x95: {  	s5 =	sld [smem:$0x3FFC];
	_ =	sdelay $0x3  }
0x96: {  	_ =	strace s5  }
0x97: {  	s5 =	sld [smem:$0x3FFD];
	_ =	sdelay $0x3  }
0x98: {  	_ =	strace s5  }
0x99: {  	_ =	strace $0x8FFFFFFF  }
0x9a: {  	s19 =	sld [smem:$0x3FDB];
	_ =	sdelay $0x1  }
0x9b: {  	s6 =	simm.s32 $_scs_section_size  }
0x9c: {  	s7 =	simm.s32 $_size__tile_overlayer_lowered;
	s8 =	simm.s32 $_tile_overlayer_lowered  }
0x9d: {  	s22 =	simm.s32 $0x1BFF;
	s21 =	sshll.u32 s8, $0x1;
	s5 =	sadd.s32 s6, s19  }
0x9e: {  	s9 =	simm.s32 $0x0;
	s20 =	sshll.u32 s7, $0x1;
	s7 =	sadd.s32 s21, s5  }
0x9f: {  	[timem:s9], [sflag:s22] =	dma.local [hbm:s7], s20  }
0xa0: {  	_ =	swait.ge [sflag:s22], s20  }
0xa1: {  	s6 =	ssub.s32 $0x0, s20;
	[sflag:s22] =	ssyncset.done $0x0  }
0xa2: {  	[sflag:s22] =	ssyncadd.s32 s6;
	_ =	sdelay $0x1  }
0xa3: {  	s23 =	simm.s32 $0x1B8B  }
0xa4: {  	_ =	swait.ge [sflag:s23], $0x1  }
0xa5: {  	[sflag:s23] =	ssyncset.done $0x0  }
0xa6: {  	s25 =	simm.s32 $0x1B8E;
	s24 =	sld [smem:$0x3FFE];
	[sflag:s23] =	ssyncadd.s32 $0xFFFFFFFF  }
0xa7: {  	s26 =	simm.s32 $execute0_lowered;
	[smem:$0x3FD2] =	sst s25  }
0xa8: {  	s7 =	sshll.u32 s26, $0x1;
	_ =	strace $0x80000046;
	[dreg:$0x1] =	wrdreg $0xFFFFFFFF  }
0xa9: {  	s28 =	simm.s32 $_size_execute0_lowered;
	s5 =	sadd.s32 s5, s7;
	[dreg:$0x0] =	wrdreg $0x0  }
0xaa: {  	s7 =	sshll.u32 s28, $0x1;
	[dreg:$0x2] =	wrdreg s5  }
0xab: {  	[dreg:$0x3] =	wrdreg s7  }
0xac: {  	[dreg:$0x4] =	wrdreg $0xC0  }
0xad: {  	_ =	task [dreg:s9], $0x5FFFF  }
0xae: {  	[dreg:$0x1] =	wrdreg $0xFFFFFFFF  }
0xaf: {  	[dreg:$0x0] =	wrdreg $0x60  }
0xb0: {  	[dreg:$0x2] =	wrdreg s2  }
0xb1: {  	[dreg:$0x3] =	wrdreg s24  }
0xb2: {  	[dreg:$0x4] =	wrdreg s18  }
0xb3: {  	[dreg:$0x5] =	wrdreg s4  }
0xb4: {  	[dreg:$0x6] =	wrdreg $0x90000  }
0xb5: {  	[dreg:$0x7] =	wrdreg $0x9  }
0xb6: {  	_ =	task.clear_ibuf [dreg:s9], $0x8FFFF;
	_ =	strace $0x90000046  }
0xb7: {  	s29 =	simm.s32 $0x9;
	_ =	strace $0x80000048  }
0xb8: {  	_ =	swait.ge [sflag:s29], $0x1  }
0xb9: {  	[sflag:s29] =	ssyncadd.s32 $0xFFFFFFFF  }
0xba: {  	_ =	strace $0x90000048  }
0xbb: {  	_ =	sfence  }
0xbc: {  	s30 =	sld [smem:$0x0];
	_ =	sdelay $0x2  }
0xbd: {  	s31 =	sshll.u32 s1, $0xD;
	s1 =	sshrl.u32 s1, $0x2  }
0xbe: {  	s3 =	sand.u32 $0x4000, s31;
	s1 =	sadd.s32 s1, s30  }
0xbf: {  	s0 =	sor.u32 s3, s0;
	s1 =	sshll.u32 s1, $0x11  }
0xc0: {  	s0 =	sor.u32 s1, s0  }
0xc1: {  	s0 =	sadd.s32 $0x8F2B, s0  }
0xc2: {  	[sflag:s0] =	ssyncadd.remote.s32 $0x1  }
0xc3: {  	_ =	sfence.sel $0xFFFF  }
0xc4: {  	[dreg:$0x0] =	wrdreg $0xFFFFFFFF;
	(pc) =	sbr.abs _section_cstart, $3  }
0xc5: {  	[dreg:$0x1] =	wrdreg $0xFFFFFFFF  }
0xc6: {  	_ =	task.clear_ibuf [dreg:s9], $0x2FFFF;
	_ =	strace $0x9FFFFFFF  }
0xc7: {  	(tm) =	ssettm $0x7FFFFFFF  }
tec
execute0_lowered:
.L_overlay_start_1:
0x0: {  	(tag) =	ssettag $0x1  }
0x1: {  	s0 =	rddreg [dreg:$0x0]  }
0x2: {  	s5 =	rddreg [dreg:$0x1]  }
0x3: {  	s1 =	srdreg.scid;
	s6 =	rddreg [dreg:$0x2]  }
0x4: {  	s9 =	rddreg [dreg:$0x3];
	s7 =	sand.u32 $0x1, s1;
	s1 =	stileid.u32  }
0x5: {  	s3 =	rddreg [dreg:$0x4];
	s10 =	smul.u32 $0x51000, s1  }
0x6: {  	s4 =	simm.s32 $0x0;
	s16 =	simm.s32 $0x1;
	s12 =	smul.u32 $0x2880, s1  }
0x7: {  	s2 =	sshll.u32 s7, $0x4;
	s11 =	ssub.s32 $0x2, s7;
	s7 =	smul.u32 $0x140000, s7  }
0x8: {  	s18 =	simm.s32 $0x0;
	[smem:$0x7FF] =	sst s4;
	s30 =	smul.u32 $0x14000, s1  }
0x9: {  	s14 =	sshll.u32 s1, $0x6;
	s15 =	smul.u32 $0x50000, s1;
	s8 =	sor.u32 s1, s2  }
0xa: {  	s2 =	rddreg [dreg:$0x5];
	_ =	strace $0x80000047;
	s28 =	sshrl.u32 s11, $0x1  }
0xb: {  	s8 =	smul.u32 $0x500, s8;
	s11 =	ssub.s32 s11, s28;
	s29 =	sshrl.u32 s10, $0x2  }
0xc: {  	s10 =	sadd.s32 s30, s7;
	s31 =	sshrl.u32 s15, $0x2;
	s15 =	simm.s32 $0x5000  }
0xd: {  	s13 =	sadd.s32 s29, s3;
	s10 =	sshrl.u32 s10, $0x3;
	s17 =	sadd.s32 s31, s3  }
0xe: {  	s8 =	sadd.s32 s8, s5;
	s5 =	sadd.s32 s6, s12;
	s6 =	sor.u32 $0x1C02, s14  }
0xf: {  	s9 =	sadd.s32 s9, s10;
	s10 =	smax.u32 s11, $0x1;
	s11 =	sshrl.u32 s13, $0x3  }
0x10: {  	s12 =	simm.s32 $0x2;
	s13 =	simm.s32 $0x2800;
	s14 =	simm.s32 $0x80  }
0x11: {  	s17 =	sshrl.u32 s17, $0x3;
	s7 =	sadd.s32 $0x600, s8;
	s8 =	sadd.s32 $0xA600, s8  }
.LBB2_1:
0x12: {  	[spmem:s11], [sflag:s6] =	dma.local [hbm:s5], $0x2880  }
0x13: {  	_ =	swait.ge [sflag:s12], $0x2880  }
0x14: {  	[sflag:s12] =	ssyncset.done $0x0  }
0x15: {  	[sflag:s12] =	ssyncadd.s32 $0xFFFFD780  }
0x16: {  	[tilespmem:s4], [sflag:$0x2] =	stream.linear.gather [hbm4b:s7+s4], $0x2780, $0x38;
	[tilespmem:$0x1D400] =	vst v63  }
0x17: {  	_ =	swait.ge [sflag:s12], $0x2780  }
0x18: {  	[sflag:s12] =	ssyncset.done $0x0  }
0x19: {  	[sflag:s12] =	ssyncadd.s32 $0xFFFFD880  }
0x1a: {  	[tilespmem:s13], [sflag:$0x2] =	stream.linear.gather [hbm4b:s8+s4], $0x2780, $0x38;
	[tilespmem:$0x1D400] =	vst v63  }
0x1b: {  	_ =	swait.ge [sflag:s12], $0x2780  }
0x1c: {  	[sflag:s12] =	ssyncset.done $0x0  }
0x1d: {  	[sflag:s12] =	ssyncadd.s32 $0xFFFFD880  }
0x1e: {  	s19 =	simm.s32 $0x0;
	[bflag:$0x0] =	sbarrier.arrive $0xFFFF  }
0x1f: {  	[tilespmem:s15], [sflag:$0x1] =	stream.indirect.gather [hbm4b:s0+s14], $0x80, s19, s14, $0xb8;
	[tilespmem:$0x1D400] =	vst v63  }
0x20: {  	_ =	swait.ge [sflag:s16], $0x4000  }
0x21: {  	[sflag:s16] =	ssyncset.done $0x0  }
0x22: {  	s31 =	simm.s32 $0x2800;
	[sflag:s16] =	ssyncadd.s32 $0xFFFFC000  }
0x23: {  	[spmem:s3] =	stream.indirect.scatter.add.f32 [tilespmem:s15], [sflag:$0x2], $0x80, s31, s14, $0xb8;
	[tilespmem:$0x1D400] =	vst v63  }
0x24: {  	_ =	swait.ge [sflag:s12], $0x4000  }
0x25: {  	s20 =	simm.s32 $0x400;
	s19 =	simm.s32 $0x200;
	[sflag:s12] =	ssyncset.done $0x0  }
.LBB2_2:
0x26: {  	s21 =	sshra.s32 s19, $0x2  }
0x27: {  	[sflag:s12] =	ssyncadd.s32 $0xFFFFC000;
	s19 =	smov.u32 s20;
	s22 =	sadd.s32 $0x200, s20  }
0x28: {  	[tilespmem:s15], [sflag:$0x1] =	stream.indirect.gather [hbm4b:s0+s14], $0x80, s21, s14, $0xb8;
	[tilespmem:$0x1D400] =	vst v63  }
0x29: {  	p0 =	sne.s32 s20, $0x9C00;
	_ =	swait.ge [sflag:s16], $0x4000  }
.Ltmp0:
0x2a: {  	[sflag:s16] =	ssyncset.done $0x0;
	(pc) =	sbr.rel @p0 .LBB2_2-.Ltmp0, $4  }
0x2b: {  	s20 =	sadd.s32 $0x2800, s21;
	[sflag:s16] =	ssyncadd.s32 $0xFFFFC000  }
0x2c: {  	[spmem:s3] =	stream.indirect.scatter.add.f32 [tilespmem:s15], [sflag:$0x2], $0x80, s20, s14, $0xb8;
	[tilespmem:$0x1D400] =	vst v63  }
0x2d: {  	_ =	swait.ge [sflag:s12], $0x4000  }
0x2e: {  	s20 =	smov.u32 s22;
	[sflag:s12] =	ssyncset.done $0x0  }
0x2f: {  	s19 =	sshra.s32 s19, $0x2;
	[sflag:s12] =	ssyncadd.s32 $0xFFFFC000  }
0x30: {  	[tilespmem:s15], [sflag:$0x1] =	stream.indirect.gather [hbm4b:s0+s14], $0x80, s19, s14, $0xb8;
	[tilespmem:$0x1D400] =	vst v63  }
0x31: {  	_ =	swait.ge [sflag:s16], $0x4000  }
0x32: {  	[sflag:s16] =	ssyncset.done $0x0  }
0x33: {  	s19 =	sadd.s32 $0x2800, s19;
	[sflag:s16] =	ssyncadd.s32 $0xFFFFC000  }
0x34: {  	[spmem:s3] =	stream.indirect.scatter.add.f32 [tilespmem:s15], [sflag:$0x2], $0x80, s19, s14, $0xb8;
	[tilespmem:$0x1D400] =	vst v63  }
0x35: {  	_ =	swait.ge [sflag:s12], $0x4000  }
0x36: {  	s18 =	sadd.s32 $0x1, s18;
	[sflag:s12] =	ssyncset.done $0x0  }
0x37: {  	p0 =	sne.s32 s18, s10;
	[sflag:s12] =	ssyncadd.s32 $0xFFFFC000  }
.Ltmp1:
0x38: {  	[bflag:$0x0] =	sbarrier.arrive $0xFFFF;
	(pc) =	sbr.rel @p0 .LBB2_1-.Ltmp1, $4  }
0x39: {  	[hbm:s9], [sflag:s6] =	dma.local [spmem:s17], $0x2800  }
0x3a: {  	_ =	swait.ge [sflag:s12], $0x2800  }
0x3b: {  	[sflag:s12] =	ssyncset.done $0x0  }
0x3c: {  	[sflag:s12] =	ssyncadd.s32 $0xFFFFD800  }
0x3d: {  	_ =	sfence.sel $0x180000  }
0x3e: {  	[bflag:$0x0] =	sbarrier.arrive $0xFFFF  }
0x3f: {  	p0 =	sne.s32 s1, $0x0;
	_ =	strace $0x90000047  }
0x40: {  	s0 =	sadd.s32 @!p0 $0x100000, s2;
	[bflag:$0x2] =	sbarrier.arrive $0xFFFF  }
0x41: {  	[sflag:s0] =	ssyncadd.tile.s32 @!p0 $0x1;
	_ =	shalt  }
.Lfunc_end2:
_tile_overlayer_lowered:
.L_overlay_start_2:
0x42: {  	(tag) =	ssettag $0x2  }
0x43: {  	s0 =	rddreg [dreg:$0x0];
	s2 =	stileid.u32  }
0x44: {  	s1 =	rddreg [dreg:$0x1];
	p0 =	sne.s32 s2, $0x0  }
0x45: {  	s3 =	rddreg [dreg:$0x2];
	[bflag:$0x3] =	sbarrier.arrive $0xFFFF;
	s2 =	simm.s32 @!p0 $0x1C02  }
0x46: {  	[timem:s3], [sflag:s2] =	dma.local @!p0 [hbm:s0], s1  }
0x47: {  	s0 =	simm.s32 @!p0 $0x2  }
0x48: {  	_ =	swait.ge @!p0 [sflag:s0], s1  }
0x49: {  	s1 =	ssub.s32 @!p0 $0x0, s1;
	[sflag:s0] =	ssyncset.done @!p0 $0x0  }
0x4a: {  	[sflag:s0] =	ssyncadd.s32 @!p0 s1  }
0x4b: {  	[bflag:$0x3] =	sbarrier.arrive $0xFFFF  }
0x4c: {  	_ =	shalt  }

</sc_bundles>
